<compile_context>
chip_gen: v7x
topology: tpu7x:2x2x1
jax: 0.10.2.dev20260603
libtpu: 0.0.44.dev20260713+nightly
codegen_flags: <defaults>
</compile_context>

<pallas_src>
import functools

import jax
import jax.numpy as jnp
from jax import lax
from jax.experimental import pallas as pl
from jax.experimental.pallas import tpu as pltpu
from jax.experimental.pallas import tpu_sc as plsc

_V = 1000
_H = 128
_CH = 80
_SB = 5


def _matmul_body(h_ref, w_ref, o_ref):
    for j in range(_SB):
        o_ref[j] = lax.dot_general(
            w_ref[...], h_ref[j],
            dimension_numbers=(((1,), (1,)), ((), ())),
            preferred_element_type=jnp.float32,
        )


def _logits_svb(hidden_sb, w, s, b):
    return pl.pallas_call(
        _matmul_body,
        grid=(s // _SB,),
        in_specs=[
            pl.BlockSpec((_SB, b, _H), lambda i: (i, 0, 0)),
            pl.BlockSpec((_V, _H), lambda i: (0, 0)),
        ],
        out_specs=pl.BlockSpec((_SB, _V, b), lambda i: (i, 0, 0)),
        out_shape=jax.ShapeDtypeStruct((s, _V, b), jnp.float32),
        compiler_params=pltpu.CompilerParams(
            vmem_limit_bytes=100 * 1024 * 1024),
    )(hidden_sb, w)


def _make_gather(total_rows):
    info = plsc.get_sparse_core_info()
    nc, ns = info.num_cores, info.num_subcores
    nw = nc * ns
    assert total_rows % (nw * _CH) == 0
    rows_per_w = total_rows // nw
    n_chunks = rows_per_w // _CH
    nbuf = 4
    assert n_chunks >= nbuf and n_chunks % nbuf == 0
    mesh = plsc.VectorSubcoreMesh(core_axis_name="c", subcore_axis_name="s")

    @functools.partial(
        pl.kernel,
        mesh=mesh,
        out_type=jax.ShapeDtypeStruct((total_rows, _H), jnp.float32),
        scratch_types=[
            pltpu.VMEM_SHARED((_V, _H), jnp.float32),
            pltpu.VMEM((rows_per_w,), jnp.int32),
        ] + [pltpu.VMEM((_CH, _H), jnp.float32)] * 4
          + [pltpu.SemaphoreType.DMA] * 8,
    )
    def gather_k(table_hbm, idx_hbm, out_hbm, tab_sh, idx_v,
                 buf0, buf1, buf2, buf3,
                 g0, g1, g2, g3, s0, s1, s2, s3):
        cid = lax.axis_index("c")
        sid = lax.axis_index("s")
        wid = sid * nc + cid
        base = wid * rows_per_w

        @pl.when(sid == 0)
        def _stage():
            pltpu.sync_copy(table_hbm, tab_sh)

        pltpu.sync_copy(idx_hbm.at[pl.ds(base, rows_per_w)], idx_v)
        plsc.subcore_barrier()

        bufs = (buf0, buf1, buf2, buf3)
        gsem = (g0, g1, g2, g3)
        ssem = (s0, s1, s2, s3)

        def g_copy(i, b):
            off = pl.multiple_of(i * _CH, 8)
            return pltpu.make_async_copy(
                tab_sh.at[idx_v.at[pl.ds(off, _CH)]], bufs[b], gsem[b])

        def s_copy(i, b):
            return pltpu.make_async_copy(
                bufs[b], out_hbm.at[pl.ds(base + i * _CH, _CH)], ssem[b])

        for b in range(nbuf):
            g_copy(b, b).start()

        def outer(io, carry):
            for b in range(nbuf):
                i = io * nbuf + b
                g_copy(i, b).wait()
                s_copy(i, b).start()
                nxt = i + nbuf

                @pl.when(nxt < n_chunks)
                def _refill():
                    s_copy(i, b).wait()
                    g_copy(nxt, b).start()

            return carry

        lax.fori_loop(0, n_chunks // nbuf, outer, 0)
        for b in range(nbuf):
            s_copy(n_chunks - nbuf + b, b).wait()

    return gather_k


def kernel(input_ids, embed_weight, linear_weight):
    b, s = input_ids.shape
    ids_sb = input_ids.T.reshape(b * s).astype(jnp.int32)
    hidden = _make_gather(b * s)(embed_weight, ids_sb)
    logits_svb = _logits_svb(hidden.reshape(s, b, _H), linear_weight, s, b)
    return jnp.transpose(logits_svb, (2, 0, 1))

# --- scband reference (transcript-rebuilt; emitter-appended) ---
"""Pipeline reference for scband-toy-lmmodule-38740605010194 (READ-ONLY COPY).

The authoritative reference and input builder live on the scoring server;
editing this copy changes nothing except your own understanding.
"""

import jax, jax.numpy as jnp
import numpy as np

VOCAB = 1000
HIDDEN = 128
BATCH = 1024
SEQ = 50

def setup_inputs(seed: int = 0) -> dict:
    key = jax.random.key(seed)
    k_ids, k_emb, k_w = jax.random.split(key, 3)
    input_ids = jax.random.randint(k_ids, (BATCH, SEQ), 0, VOCAB, dtype=jnp.int64) if jax.config.jax_enable_x64 else jax.random.randint(k_ids, (BATCH, SEQ), 0, VOCAB, dtype=jnp.int32)
    # nn.Embedding default init: N(0,1)
    embed_weight = jax.random.normal(k_emb, (VOCAB, HIDDEN), dtype=jnp.float32)
    # nn.Linear(bias=False) weight shape [out_features, in_features] = [VOCAB, HIDDEN]
    bound = 1.0 / np.sqrt(HIDDEN)
    linear_weight = jax.random.uniform(k_w, (VOCAB, HIDDEN), dtype=jnp.float32, minval=-bound, maxval=bound)
    return {"input_ids": input_ids, "embed_weight": embed_weight, "linear_weight": linear_weight}

def reference(input_ids, embed_weight, linear_weight):
    # hidden = self.embed(input_ids)  -> gather rows of embedding table
    hidden = jnp.take(embed_weight, input_ids, axis=0)  # [B, S, H]
    # logits = self.linear(hidden)    -> hidden @ W^T (no bias)
    logits = jnp.einsum('bsh,vh->bsv', hidden, linear_weight)  # [B, S, V]
    return logits

if __name__ == "__main__":
    import jax
    _d = setup_inputs()
    print(jax.jit(kernel)(*tuple(_d.values())))

</pallas_src>

<mosaic_0001>
#map = affine_map<(d0, d1) -> (0, 0)>
#map1 = affine_map<(d0, d1) -> (0)>
module attributes {stable_mosaic.version = 14 : i64} {
  func.func @gather_k(%arg0: i32, %arg1: i32, %arg2: memref<1000x128xf32, #tpu.memory_space<hbm>>, %arg3: memref<51200xi32, #tpu.memory_space<hbm>>, %arg4: memref<51200x128xf32, #tpu.memory_space<hbm>>, %arg5: memref<1000x128xf32, #tpu.memory_space<vmem_shared>>, %arg6: memref<1600xi32, #tpu.memory_space<vmem>>, %arg7: memref<80x128xf32, #tpu.memory_space<vmem>>, %arg8: memref<80x128xf32, #tpu.memory_space<vmem>>, %arg9: memref<80x128xf32, #tpu.memory_space<vmem>>, %arg10: memref<80x128xf32, #tpu.memory_space<vmem>>, %arg11: memref<!tpu.dma_semaphore, #tpu.memory_space<semaphore_mem>>, %arg12: memref<!tpu.dma_semaphore, #tpu.memory_space<semaphore_mem>>, %arg13: memref<!tpu.dma_semaphore, #tpu.memory_space<semaphore_mem>>, %arg14: memref<!tpu.dma_semaphore, #tpu.memory_space<semaphore_mem>>, %arg15: memref<!tpu.dma_semaphore, #tpu.memory_space<semaphore_mem>>, %arg16: memref<!tpu.dma_semaphore, #tpu.memory_space<semaphore_mem>>, %arg17: memref<!tpu.dma_semaphore, #tpu.memory_space<semaphore_mem>>, %arg18: memref<!tpu.dma_semaphore, #tpu.memory_space<semaphore_mem>>) attributes {dimension_semantics = [#tpu.dimension_semantics<core_parallel>, #tpu.dimension_semantics<subcore_parallel>], iteration_bounds = array<i64: 2, 16>, scalar_prefetch = 0 : i64, scratch_operands = 14 : i64, tpu.core_type = #tpu.core_type<sc_vector_subcore>, window_params = [{transform_indices = #map}, {transform_indices = #map1}, {transform_indices = #map}]} {
    %mul3A = arith.constant 2 : i32
    %mul3A_0 = arith.muli %arg1, %mul3A : i32
    %add3A = arith.addi %mul3A_0, %arg0 : i32
    %mul3A_1 = arith.constant 1600 : i32
    %mul3A_2 = arith.muli %add3A, %mul3A_1 : i32
    %eq3A = arith.constant 0 : i32
    %eq3A_3 = arith.cmpi eq, %arg1, %eq3A : i32
    %convert_element_type3A = arith.extui %eq3A_3 : i1 to i32
    %cond3A = arith.constant 0 : i32
    %cond3A_4 = arith.cmpi ne, %convert_element_type3A, %cond3A : i32
    scf.if %cond3A_4 {
      "tpu.region"() ({
        %run_scoped3A = tpu.sem_alloc : memref<!tpu.dma_semaphore, #tpu.memory_space<semaphore_mem>>
        tpu.enqueue_dma source(%arg2 : memref<1000x128xf32, #tpu.memory_space<hbm>>) target(%arg5 : memref<1000x128xf32, #tpu.memory_space<vmem_shared>>) target_semaphore(%run_scoped3A : memref<!tpu.dma_semaphore, #tpu.memory_space<semaphore_mem>>)
        tpu.wait_dma2 semaphore(%run_scoped3A : memref<!tpu.dma_semaphore, #tpu.memory_space<semaphore_mem>>) src(%arg2 : memref<1000x128xf32, #tpu.memory_space<hbm>>) dst(%arg5 : memref<1000x128xf32, #tpu.memory_space<vmem_shared>>)
        tpu.yield
      }) : () -> ()
    } else {
    }
    "tpu.region"() ({
      %run_scoped3A = tpu.sem_alloc : memref<!tpu.dma_semaphore, #tpu.memory_space<semaphore_mem>>
      %dma_start3A_55 = tpu.memref_slice %arg3[%mul3A_2] : memref<51200xi32, #tpu.memory_space<hbm>> -> memref<1600xi32, #tpu.memory_space<hbm>>
      %dma_start3A_56 = tpu.memref_slice %arg3[%mul3A_2] : memref<51200xi32, #tpu.memory_space<hbm>> -> memref<1600xi32, #tpu.memory_space<hbm>>
      tpu.enqueue_dma source(%dma_start3A_56 : memref<1600xi32, #tpu.memory_space<hbm>>) target(%arg6 : memref<1600xi32, #tpu.memory_space<vmem>>) target_semaphore(%run_scoped3A : memref<!tpu.dma_semaphore, #tpu.memory_space<semaphore_mem>>)
      %dma_wait3A_57 = tpu.memref_slice %arg3[%mul3A_2] : memref<51200xi32, #tpu.memory_space<hbm>> -> memref<1600xi32, #tpu.memory_space<hbm>>
      %dma_wait3A_58 = tpu.memref_slice %arg3[%mul3A_2] : memref<51200xi32, #tpu.memory_space<hbm>> -> memref<1600xi32, #tpu.memory_space<hbm>>
      tpu.wait_dma2 semaphore(%run_scoped3A : memref<!tpu.dma_semaphore, #tpu.memory_space<semaphore_mem>>) src(%dma_wait3A_58 : memref<1600xi32, #tpu.memory_space<hbm>>) dst(%arg6 : memref<1600xi32, #tpu.memory_space<vmem>>)
      tpu.yield
    }) : () -> ()
    %barrier3A = arith.constant 0 : index
    tpu.barrier barrier_id(%barrier3A)
    %multiple_of3A = arith.constant 0 : i32
    %multiple_of3A_5 = tpu.assume_multiple %multiple_of3A, 8 : i32
    %dma_start3A = tpu.memref_slice %arg6[%multiple_of3A_5] : memref<1600xi32, #tpu.memory_space<vmem>> -> memref<80xi32, #tpu.memory_space<vmem>>
    %dma_start3A_6 = arith.constant 0 : i32
    %dma_start3A_7 = arith.constant 0 : i32
    %dma_start3A_8 = tpu.memref_slice %arg5[%dma_start3A_6, %dma_start3A_7] : memref<1000x128xf32, #tpu.memory_space<vmem_shared>> -> memref<1000x128xf32, #tpu.memory_space<vmem_shared>>
    tpu.enqueue_indirect_dma source(%dma_start3A_8 : memref<1000x128xf32, #tpu.memory_space<vmem_shared>>) target(%arg7 : memref<80x128xf32, #tpu.memory_space<vmem>>) offsets(%dma_start3A : memref<80xi32, #tpu.memory_space<vmem>>) semaphore(%arg11 : memref<!tpu.dma_semaphore, #tpu.memory_space<semaphore_mem>>)
    %multiple_of3A_9 = arith.constant 80 : i32
    %multiple_of3A_10 = tpu.assume_multiple %multiple_of3A_9, 8 : i32
    %dma_start3A_11 = tpu.memref_slice %arg6[%multiple_of3A_10] : memref<1600xi32, #tpu.memory_space<vmem>> -> memref<80xi32, #tpu.memory_space<vmem>>
    %dma_start3A_12 = arith.constant 0 : i32
    %dma_start3A_13 = arith.constant 0 : i32
    %dma_start3A_14 = tpu.memref_slice %arg5[%dma_start3A_12, %dma_start3A_13] : memref<1000x128xf32, #tpu.memory_space<vmem_shared>> -> memref<1000x128xf32, #tpu.memory_space<vmem_shared>>
    tpu.enqueue_indirect_dma source(%dma_start3A_14 : memref<1000x128xf32, #tpu.memory_space<vmem_shared>>) target(%arg8 : memref<80x128xf32, #tpu.memory_space<vmem>>) offsets(%dma_start3A_11 : memref<80xi32, #tpu.memory_space<vmem>>) semaphore(%arg12 : memref<!tpu.dma_semaphore, #tpu.memory_space<semaphore_mem>>)
    %multiple_of3A_15 = arith.constant 160 : i32
    %multiple_of3A_16 = tpu.assume_multiple %multiple_of3A_15, 8 : i32
    %dma_start3A_17 = tpu.memref_slice %arg6[%multiple_of3A_16] : memref<1600xi32, #tpu.memory_space<vmem>> -> memref<80xi32, #tpu.memory_space<vmem>>
    %dma_start3A_18 = arith.constant 0 : i32
    %dma_start3A_19 = arith.constant 0 : i32
    %dma_start3A_20 = tpu.memref_slice %arg5[%dma_start3A_18, %dma_start3A_19] : memref<1000x128xf32, #tpu.memory_space<vmem_shared>> -> memref<1000x128xf32, #tpu.memory_space<vmem_shared>>
    tpu.enqueue_indirect_dma source(%dma_start3A_20 : memref<1000x128xf32, #tpu.memory_space<vmem_shared>>) target(%arg9 : memref<80x128xf32, #tpu.memory_space<vmem>>) offsets(%dma_start3A_17 : memref<80xi32, #tpu.memory_space<vmem>>) semaphore(%arg13 : memref<!tpu.dma_semaphore, #tpu.memory_space<semaphore_mem>>)
    %multiple_of3A_21 = arith.constant 240 : i32
    %multiple_of3A_22 = tpu.assume_multiple %multiple_of3A_21, 8 : i32
    %dma_start3A_23 = tpu.memref_slice %arg6[%multiple_of3A_22] : memref<1600xi32, #tpu.memory_space<vmem>> -> memref<80xi32, #tpu.memory_space<vmem>>
    %dma_start3A_24 = arith.constant 0 : i32
    %dma_start3A_25 = arith.constant 0 : i32
    %dma_start3A_26 = tpu.memref_slice %arg5[%dma_start3A_24, %dma_start3A_25] : memref<1000x128xf32, #tpu.memory_space<vmem_shared>> -> memref<1000x128xf32, #tpu.memory_space<vmem_shared>>
    tpu.enqueue_indirect_dma source(%dma_start3A_26 : memref<1000x128xf32, #tpu.memory_space<vmem_shared>>) target(%arg10 : memref<80x128xf32, #tpu.memory_space<vmem>>) offsets(%dma_start3A_23 : memref<80xi32, #tpu.memory_space<vmem>>) semaphore(%arg14 : memref<!tpu.dma_semaphore, #tpu.memory_space<semaphore_mem>>)
    %scan3A = arith.constant 0 : i32
    %scan3A_27 = arith.constant 0 : i32
    %scan3A_28 = arith.constant 5 : i32
    %scan3A_29 = arith.addi %scan3A_27, %scan3A_28 : i32
    %scan3A_30 = arith.constant 1 : i32
    scf.for %scan3A_55 = %scan3A_27 to %scan3A_29 step %scan3A_30  : i32 {
      %mul3A_56 = arith.constant 4 : i32
      %mul3A_57 = arith.muli %scan3A_55, %mul3A_56 : i32
      %add3A_58 = arith.constant 0 : i32
      %add3A_59 = arith.addi %mul3A_57, %add3A_58 : i32
      %mul3A_60 = arith.constant 80 : i32
      %mul3A_61 = arith.muli %add3A_59, %mul3A_60 : i32
      %multiple_of3A_62 = tpu.assume_multiple %mul3A_61, 8 : i32
      %dma_wait3A_63 = tpu.memref_slice %arg6[%multiple_of3A_62] : memref<1600xi32, #tpu.memory_space<vmem>> -> memref<80xi32, #tpu.memory_space<vmem>>
      %dma_wait3A_64 = arith.constant 0 : i32
      %dma_wait3A_65 = arith.constant 0 : i32
      %dma_wait3A_66 = tpu.memref_slice %arg5[%dma_wait3A_64, %dma_wait3A_65] : memref<1000x128xf32, #tpu.memory_space<vmem_shared>> -> memref<1000x128xf32, #tpu.memory_space<vmem_shared>>
      tpu.wait_indirect_dma semaphore(%arg11 : memref<!tpu.dma_semaphore, #tpu.memory_space<semaphore_mem>>) src(%dma_wait3A_66 : memref<1000x128xf32, #tpu.memory_space<vmem_shared>>) dst(%arg7 : memref<80x128xf32, #tpu.memory_space<vmem>>)
      %mul3A_67 = arith.constant 80 : i32
      %mul3A_68 = arith.muli %add3A_59, %mul3A_67 : i32
      %add3A_69 = arith.addi %mul3A_2, %mul3A_68 : i32
      %dma_start3A_70 = arith.constant 0 : i32
      %dma_start3A_71 = tpu.memref_slice %arg4[%add3A_69, %dma_start3A_70] : memref<51200x128xf32, #tpu.memory_space<hbm>> -> memref<80x128xf32, #tpu.memory_space<hbm>>
      %dma_start3A_72 = arith.constant 0 : i32
      %dma_start3A_73 = tpu.memref_slice %arg4[%add3A_69, %dma_start3A_72] : memref<51200x128xf32, #tpu.memory_space<hbm>> -> memref<80x128xf32, #tpu.memory_space<hbm>>
      tpu.enqueue_dma source(%arg7 : memref<80x128xf32, #tpu.memory_space<vmem>>) target(%dma_start3A_73 : memref<80x128xf32, #tpu.memory_space<hbm>>) target_semaphore(%arg15 : memref<!tpu.dma_semaphore, #tpu.memory_space<semaphore_mem>>)
      %add3A_74 = arith.constant 4 : i32
      %add3A_75 = arith.addi %add3A_59, %add3A_74 : i32
      %lt3A = arith.constant 20 : i32
      %lt3A_76 = arith.cmpi slt, %add3A_75, %lt3A : i32
      %convert_element_type3A_77 = arith.extui %lt3A_76 : i1 to i32
      %cond3A_78 = arith.constant 0 : i32
      %cond3A_79 = arith.cmpi ne, %convert_element_type3A_77, %cond3A_78 : i32
      scf.if %cond3A_79 {
        %mul3A_155 = arith.constant 80 : i32
        %mul3A_156 = arith.muli %add3A_59, %mul3A_155 : i32
        %add3A_157 = arith.addi %mul3A_2, %mul3A_156 : i32
        %dma_wait3A_158 = arith.constant 0 : i32
        %dma_wait3A_159 = tpu.memref_slice %arg4[%add3A_157, %dma_wait3A_158] : memref<51200x128xf32, #tpu.memory_space<hbm>> -> memref<80x128xf32, #tpu.memory_space<hbm>>
        %dma_wait3A_160 = arith.constant 0 : i32
        %dma_wait3A_161 = tpu.memref_slice %arg4[%add3A_157, %dma_wait3A_160] : memref<51200x128xf32, #tpu.memory_space<hbm>> -> memref<80x128xf32, #tpu.memory_space<hbm>>
        tpu.wait_dma2 semaphore(%arg15 : memref<!tpu.dma_semaphore, #tpu.memory_space<semaphore_mem>>) src(%arg7 : memref<80x128xf32, #tpu.memory_space<vmem>>) dst(%dma_wait3A_161 : memref<80x128xf32, #tpu.memory_space<hbm>>)
        %mul3A_162 = arith.constant 80 : i32
        %mul3A_163 = arith.muli %add3A_75, %mul3A_162 : i32
        %multiple_of3A_164 = tpu.assume_multiple %mul3A_163, 8 : i32
        %dma_start3A_165 = tpu.memref_slice %arg6[%multiple_of3A_164] : memref<1600xi32, #tpu.memory_space<vmem>> -> memref<80xi32, #tpu.memory_space<vmem>>
        %dma_start3A_166 = arith.constant 0 : i32
        %dma_start3A_167 = arith.constant 0 : i32
        %dma_start3A_168 = tpu.memref_slice %arg5[%dma_start3A_166, %dma_start3A_167] : memref<1000x128xf32, #tpu.memory_space<vmem_shared>> -> memref<1000x128xf32, #tpu.memory_space<vmem_shared>>
        tpu.enqueue_indirect_dma source(%dma_start3A_168 : memref<1000x128xf32, #tpu.memory_space<vmem_shared>>) target(%arg7 : memref<80x128xf32, #tpu.memory_space<vmem>>) offsets(%dma_start3A_165 : memref<80xi32, #tpu.memory_space<vmem>>) semaphore(%arg11 : memref<!tpu.dma_semaphore, #tpu.memory_space<semaphore_mem>>)
      } else {
      }
      %mul3A_80 = arith.constant 4 : i32
      %mul3A_81 = arith.muli %scan3A_55, %mul3A_80 : i32
      %add3A_82 = arith.constant 1 : i32
      %add3A_83 = arith.addi %mul3A_81, %add3A_82 : i32
      %mul3A_84 = arith.constant 80 : i32
      %mul3A_85 = arith.muli %add3A_83, %mul3A_84 : i32
      %multiple_of3A_86 = tpu.assume_multiple %mul3A_85, 8 : i32
      %dma_wait3A_87 = tpu.memref_slice %arg6[%multiple_of3A_86] : memref<1600xi32, #tpu.memory_space<vmem>> -> memref<80xi32, #tpu.memory_space<vmem>>
      %dma_wait3A_88 = arith.constant 0 : i32
      %dma_wait3A_89 = arith.constant 0 : i32
      %dma_wait3A_90 = tpu.memref_slice %arg5[%dma_wait3A_88, %dma_wait3A_89] : memref<1000x128xf32, #tpu.memory_space<vmem_shared>> -> memref<1000x128xf32, #tpu.memory_space<vmem_shared>>
      tpu.wait_indirect_dma semaphore(%arg12 : memref<!tpu.dma_semaphore, #tpu.memory_space<semaphore_mem>>) src(%dma_wait3A_90 : memref<1000x128xf32, #tpu.memory_space<vmem_shared>>) dst(%arg8 : memref<80x128xf32, #tpu.memory_space<vmem>>)
      %mul3A_91 = arith.constant 80 : i32
      %mul3A_92 = arith.muli %add3A_83, %mul3A_91 : i32
      %add3A_93 = arith.addi %mul3A_2, %mul3A_92 : i32
      %dma_start3A_94 = arith.constant 0 : i32
      %dma_start3A_95 = tpu.memref_slice %arg4[%add3A_93, %dma_start3A_94] : memref<51200x128xf32, #tpu.memory_space<hbm>> -> memref<80x128xf32, #tpu.memory_space<hbm>>
      %dma_start3A_96 = arith.constant 0 : i32
      %dma_start3A_97 = tpu.memref_slice %arg4[%add3A_93, %dma_start3A_96] : memref<51200x128xf32, #tpu.memory_space<hbm>> -> memref<80x128xf32, #tpu.memory_space<hbm>>
      tpu.enqueue_dma source(%arg8 : memref<80x128xf32, #tpu.memory_space<vmem>>) target(%dma_start3A_97 : memref<80x128xf32, #tpu.memory_space<hbm>>) target_semaphore(%arg16 : memref<!tpu.dma_semaphore, #tpu.memory_space<semaphore_mem>>)
      %add3A_98 = arith.constant 4 : i32
      %add3A_99 = arith.addi %add3A_83, %add3A_98 : i32
      %lt3A_100 = arith.constant 20 : i32
      %lt3A_101 = arith.cmpi slt, %add3A_99, %lt3A_100 : i32
      %convert_element_type3A_102 = arith.extui %lt3A_101 : i1 to i32
      %cond3A_103 = arith.constant 0 : i32
      %cond3A_104 = arith.cmpi ne, %convert_element_type3A_102, %cond3A_103 : i32
      scf.if %cond3A_104 {
        %mul3A_155 = arith.constant 80 : i32
        %mul3A_156 = arith.muli %add3A_83, %mul3A_155 : i32
        %add3A_157 = arith.addi %mul3A_2, %mul3A_156 : i32
        %dma_wait3A_158 = arith.constant 0 : i32
        %dma_wait3A_159 = tpu.memref_slice %arg4[%add3A_157, %dma_wait3A_158] : memref<51200x128xf32, #tpu.memory_space<hbm>> -> memref<80x128xf32, #tpu.memory_space<hbm>>
        %dma_wait3A_160 = arith.constant 0 : i32
        %dma_wait3A_161 = tpu.memref_slice %arg4[%add3A_157, %dma_wait3A_160] : memref<51200x128xf32, #tpu.memory_space<hbm>> -> memref<80x128xf32, #tpu.memory_space<hbm>>
        tpu.wait_dma2 semaphore(%arg16 : memref<!tpu.dma_semaphore, #tpu.memory_space<semaphore_mem>>) src(%arg8 : memref<80x128xf32, #tpu.memory_space<vmem>>) dst(%dma_wait3A_161 : memref<80x128xf32, #tpu.memory_space<hbm>>)
        %mul3A_162 = arith.constant 80 : i32
        %mul3A_163 = arith.muli %add3A_99, %mul3A_162 : i32
        %multiple_of3A_164 = tpu.assume_multiple %mul3A_163, 8 : i32
        %dma_start3A_165 = tpu.memref_slice %arg6[%multiple_of3A_164] : memref<1600xi32, #tpu.memory_space<vmem>> -> memref<80xi32, #tpu.memory_space<vmem>>
        %dma_start3A_166 = arith.constant 0 : i32
        %dma_start3A_167 = arith.constant 0 : i32
        %dma_start3A_168 = tpu.memref_slice %arg5[%dma_start3A_166, %dma_start3A_167] : memref<1000x128xf32, #tpu.memory_space<vmem_shared>> -> memref<1000x128xf32, #tpu.memory_space<vmem_shared>>
        tpu.enqueue_indirect_dma source(%dma_start3A_168 : memref<1000x128xf32, #tpu.memory_space<vmem_shared>>) target(%arg8 : memref<80x128xf32, #tpu.memory_space<vmem>>) offsets(%dma_start3A_165 : memref<80xi32, #tpu.memory_space<vmem>>) semaphore(%arg12 : memref<!tpu.dma_semaphore, #tpu.memory_space<semaphore_mem>>)
      } else {
      }
      %mul3A_105 = arith.constant 4 : i32
      %mul3A_106 = arith.muli %scan3A_55, %mul3A_105 : i32
      %add3A_107 = arith.constant 2 : i32
      %add3A_108 = arith.addi %mul3A_106, %add3A_107 : i32
      %mul3A_109 = arith.constant 80 : i32
      %mul3A_110 = arith.muli %add3A_108, %mul3A_109 : i32
      %multiple_of3A_111 = tpu.assume_multiple %mul3A_110, 8 : i32
      %dma_wait3A_112 = tpu.memref_slice %arg6[%multiple_of3A_111] : memref<1600xi32, #tpu.memory_space<vmem>> -> memref<80xi32, #tpu.memory_space<vmem>>
      %dma_wait3A_113 = arith.constant 0 : i32
      %dma_wait3A_114 = arith.constant 0 : i32
      %dma_wait3A_115 = tpu.memref_slice %arg5[%dma_wait3A_113, %dma_wait3A_114] : memref<1000x128xf32, #tpu.memory_space<vmem_shared>> -> memref<1000x128xf32, #tpu.memory_space<vmem_shared>>
      tpu.wait_indirect_dma semaphore(%arg13 : memref<!tpu.dma_semaphore, #tpu.memory_space<semaphore_mem>>) src(%dma_wait3A_115 : memref<1000x128xf32, #tpu.memory_space<vmem_shared>>) dst(%arg9 : memref<80x128xf32, #tpu.memory_space<vmem>>)
      %mul3A_116 = arith.constant 80 : i32
      %mul3A_117 = arith.muli %add3A_108, %mul3A_116 : i32
      %add3A_118 = arith.addi %mul3A_2, %mul3A_117 : i32
      %dma_start3A_119 = arith.constant 0 : i32
      %dma_start3A_120 = tpu.memref_slice %arg4[%add3A_118, %dma_start3A_119] : memref<51200x128xf32, #tpu.memory_space<hbm>> -> memref<80x128xf32, #tpu.memory_space<hbm>>
      %dma_start3A_121 = arith.constant 0 : i32
      %dma_start3A_122 = tpu.memref_slice %arg4[%add3A_118, %dma_start3A_121] : memref<51200x128xf32, #tpu.memory_space<hbm>> -> memref<80x128xf32, #tpu.memory_space<hbm>>
      tpu.enqueue_dma source(%arg9 : memref<80x128xf32, #tpu.memory_space<vmem>>) target(%dma_start3A_122 : memref<80x128xf32, #tpu.memory_space<hbm>>) target_semaphore(%arg17 : memref<!tpu.dma_semaphore, #tpu.memory_space<semaphore_mem>>)
      %add3A_123 = arith.constant 4 : i32
      %add3A_124 = arith.addi %add3A_108, %add3A_123 : i32
      %lt3A_125 = arith.constant 20 : i32
      %lt3A_126 = arith.cmpi slt, %add3A_124, %lt3A_125 : i32
      %convert_element_type3A_127 = arith.extui %lt3A_126 : i1 to i32
      %cond3A_128 = arith.constant 0 : i32
      %cond3A_129 = arith.cmpi ne, %convert_element_type3A_127, %cond3A_128 : i32
      scf.if %cond3A_129 {
        %mul3A_155 = arith.constant 80 : i32
        %mul3A_156 = arith.muli %add3A_108, %mul3A_155 : i32
        %add3A_157 = arith.addi %mul3A_2, %mul3A_156 : i32
        %dma_wait3A_158 = arith.constant 0 : i32
        %dma_wait3A_159 = tpu.memref_slice %arg4[%add3A_157, %dma_wait3A_158] : memref<51200x128xf32, #tpu.memory_space<hbm>> -> memref<80x128xf32, #tpu.memory_space<hbm>>
        %dma_wait3A_160 = arith.constant 0 : i32
        %dma_wait3A_161 = tpu.memref_slice %arg4[%add3A_157, %dma_wait3A_160] : memref<51200x128xf32, #tpu.memory_space<hbm>> -> memref<80x128xf32, #tpu.memory_space<hbm>>
        tpu.wait_dma2 semaphore(%arg17 : memref<!tpu.dma_semaphore, #tpu.memory_space<semaphore_mem>>) src(%arg9 : memref<80x128xf32, #tpu.memory_space<vmem>>) dst(%dma_wait3A_161 : memref<80x128xf32, #tpu.memory_space<hbm>>)
        %mul3A_162 = arith.constant 80 : i32
        %mul3A_163 = arith.muli %add3A_124, %mul3A_162 : i32
        %multiple_of3A_164 = tpu.assume_multiple %mul3A_163, 8 : i32
        %dma_start3A_165 = tpu.memref_slice %arg6[%multiple_of3A_164] : memref<1600xi32, #tpu.memory_space<vmem>> -> memref<80xi32, #tpu.memory_space<vmem>>
        %dma_start3A_166 = arith.constant 0 : i32
        %dma_start3A_167 = arith.constant 0 : i32
        %dma_start3A_168 = tpu.memref_slice %arg5[%dma_start3A_166, %dma_start3A_167] : memref<1000x128xf32, #tpu.memory_space<vmem_shared>> -> memref<1000x128xf32, #tpu.memory_space<vmem_shared>>
        tpu.enqueue_indirect_dma source(%dma_start3A_168 : memref<1000x128xf32, #tpu.memory_space<vmem_shared>>) target(%arg9 : memref<80x128xf32, #tpu.memory_space<vmem>>) offsets(%dma_start3A_165 : memref<80xi32, #tpu.memory_space<vmem>>) semaphore(%arg13 : memref<!tpu.dma_semaphore, #tpu.memory_space<semaphore_mem>>)
      } else {
      }
      %mul3A_130 = arith.constant 4 : i32
      %mul3A_131 = arith.muli %scan3A_55, %mul3A_130 : i32
      %add3A_132 = arith.constant 3 : i32
      %add3A_133 = arith.addi %mul3A_131, %add3A_132 : i32
      %mul3A_134 = arith.constant 80 : i32
      %mul3A_135 = arith.muli %add3A_133, %mul3A_134 : i32
      %multiple_of3A_136 = tpu.assume_multiple %mul3A_135, 8 : i32
      %dma_wait3A_137 = tpu.memref_slice %arg6[%multiple_of3A_136] : memref<1600xi32, #tpu.memory_space<vmem>> -> memref<80xi32, #tpu.memory_space<vmem>>
      %dma_wait3A_138 = arith.constant 0 : i32
      %dma_wait3A_139 = arith.constant 0 : i32
      %dma_wait3A_140 = tpu.memref_slice %arg5[%dma_wait3A_138, %dma_wait3A_139] : memref<1000x128xf32, #tpu.memory_space<vmem_shared>> -> memref<1000x128xf32, #tpu.memory_space<vmem_shared>>
      tpu.wait_indirect_dma semaphore(%arg14 : memref<!tpu.dma_semaphore, #tpu.memory_space<semaphore_mem>>) src(%dma_wait3A_140 : memref<1000x128xf32, #tpu.memory_space<vmem_shared>>) dst(%arg10 : memref<80x128xf32, #tpu.memory_space<vmem>>)
      %mul3A_141 = arith.constant 80 : i32
      %mul3A_142 = arith.muli %add3A_133, %mul3A_141 : i32
      %add3A_143 = arith.addi %mul3A_2, %mul3A_142 : i32
      %dma_start3A_144 = arith.constant 0 : i32
      %dma_start3A_145 = tpu.memref_slice %arg4[%add3A_143, %dma_start3A_144] : memref<51200x128xf32, #tpu.memory_space<hbm>> -> memref<80x128xf32, #tpu.memory_space<hbm>>
      %dma_start3A_146 = arith.constant 0 : i32
      %dma_start3A_147 = tpu.memref_slice %arg4[%add3A_143, %dma_start3A_146] : memref<51200x128xf32, #tpu.memory_space<hbm>> -> memref<80x128xf32, #tpu.memory_space<hbm>>
      tpu.enqueue_dma source(%arg10 : memref<80x128xf32, #tpu.memory_space<vmem>>) target(%dma_start3A_147 : memref<80x128xf32, #tpu.memory_space<hbm>>) target_semaphore(%arg18 : memref<!tpu.dma_semaphore, #tpu.memory_space<semaphore_mem>>)
      %add3A_148 = arith.constant 4 : i32
      %add3A_149 = arith.addi %add3A_133, %add3A_148 : i32
      %lt3A_150 = arith.constant 20 : i32
      %lt3A_151 = arith.cmpi slt, %add3A_149, %lt3A_150 : i32
      %convert_element_type3A_152 = arith.extui %lt3A_151 : i1 to i32
      %cond3A_153 = arith.constant 0 : i32
      %cond3A_154 = arith.cmpi ne, %convert_element_type3A_152, %cond3A_153 : i32
      scf.if %cond3A_154 {
        %mul3A_155 = arith.constant 80 : i32
        %mul3A_156 = arith.muli %add3A_133, %mul3A_155 : i32
        %add3A_157 = arith.addi %mul3A_2, %mul3A_156 : i32
        %dma_wait3A_158 = arith.constant 0 : i32
        %dma_wait3A_159 = tpu.memref_slice %arg4[%add3A_157, %dma_wait3A_158] : memref<51200x128xf32, #tpu.memory_space<hbm>> -> memref<80x128xf32, #tpu.memory_space<hbm>>
        %dma_wait3A_160 = arith.constant 0 : i32
        %dma_wait3A_161 = tpu.memref_slice %arg4[%add3A_157, %dma_wait3A_160] : memref<51200x128xf32, #tpu.memory_space<hbm>> -> memref<80x128xf32, #tpu.memory_space<hbm>>
        tpu.wait_dma2 semaphore(%arg18 : memref<!tpu.dma_semaphore, #tpu.memory_space<semaphore_mem>>) src(%arg10 : memref<80x128xf32, #tpu.memory_space<vmem>>) dst(%dma_wait3A_161 : memref<80x128xf32, #tpu.memory_space<hbm>>)
        %mul3A_162 = arith.constant 80 : i32
        %mul3A_163 = arith.muli %add3A_149, %mul3A_162 : i32
        %multiple_of3A_164 = tpu.assume_multiple %mul3A_163, 8 : i32
        %dma_start3A_165 = tpu.memref_slice %arg6[%multiple_of3A_164] : memref<1600xi32, #tpu.memory_space<vmem>> -> memref<80xi32, #tpu.memory_space<vmem>>
        %dma_start3A_166 = arith.constant 0 : i32
        %dma_start3A_167 = arith.constant 0 : i32
        %dma_start3A_168 = tpu.memref_slice %arg5[%dma_start3A_166, %dma_start3A_167] : memref<1000x128xf32, #tpu.memory_space<vmem_shared>> -> memref<1000x128xf32, #tpu.memory_space<vmem_shared>>
        tpu.enqueue_indirect_dma source(%dma_start3A_168 : memref<1000x128xf32, #tpu.memory_space<vmem_shared>>) target(%arg10 : memref<80x128xf32, #tpu.memory_space<vmem>>) offsets(%dma_start3A_165 : memref<80xi32, #tpu.memory_space<vmem>>) semaphore(%arg14 : memref<!tpu.dma_semaphore, #tpu.memory_space<semaphore_mem>>)
      } else {
      }
    }
    %scan3A_31 = arith.constant 5 : i32
    %add3A_32 = arith.constant 1280 : i32
    %add3A_33 = arith.addi %mul3A_2, %add3A_32 : i32
    %dma_wait3A = arith.constant 0 : i32
    %dma_wait3A_34 = tpu.memref_slice %arg4[%add3A_33, %dma_wait3A] : memref<51200x128xf32, #tpu.memory_space<hbm>> -> memref<80x128xf32, #tpu.memory_space<hbm>>
    %dma_wait3A_35 = arith.constant 0 : i32
    %dma_wait3A_36 = tpu.memref_slice %arg4[%add3A_33, %dma_wait3A_35] : memref<51200x128xf32, #tpu.memory_space<hbm>> -> memref<80x128xf32, #tpu.memory_space<hbm>>
    tpu.wait_dma2 semaphore(%arg15 : memref<!tpu.dma_semaphore, #tpu.memory_space<semaphore_mem>>) src(%arg7 : memref<80x128xf32, #tpu.memory_space<vmem>>) dst(%dma_wait3A_36 : memref<80x128xf32, #tpu.memory_space<hbm>>)
    %add3A_37 = arith.constant 1360 : i32
    %add3A_38 = arith.addi %mul3A_2, %add3A_37 : i32
    %dma_wait3A_39 = arith.constant 0 : i32
    %dma_wait3A_40 = tpu.memref_slice %arg4[%add3A_38, %dma_wait3A_39] : memref<51200x128xf32, #tpu.memory_space<hbm>> -> memref<80x128xf32, #tpu.memory_space<hbm>>
    %dma_wait3A_41 = arith.constant 0 : i32
    %dma_wait3A_42 = tpu.memref_slice %arg4[%add3A_38, %dma_wait3A_41] : memref<51200x128xf32, #tpu.memory_space<hbm>> -> memref<80x128xf32, #tpu.memory_space<hbm>>
    tpu.wait_dma2 semaphore(%arg16 : memref<!tpu.dma_semaphore, #tpu.memory_space<semaphore_mem>>) src(%arg8 : memref<80x128xf32, #tpu.memory_space<vmem>>) dst(%dma_wait3A_42 : memref<80x128xf32, #tpu.memory_space<hbm>>)
    %add3A_43 = arith.constant 1440 : i32
    %add3A_44 = arith.addi %mul3A_2, %add3A_43 : i32
    %dma_wait3A_45 = arith.constant 0 : i32
    %dma_wait3A_46 = tpu.memref_slice %arg4[%add3A_44, %dma_wait3A_45] : memref<51200x128xf32, #tpu.memory_space<hbm>> -> memref<80x128xf32, #tpu.memory_space<hbm>>
    %dma_wait3A_47 = arith.constant 0 : i32
    %dma_wait3A_48 = tpu.memref_slice %arg4[%add3A_44, %dma_wait3A_47] : memref<51200x128xf32, #tpu.memory_space<hbm>> -> memref<80x128xf32, #tpu.memory_space<hbm>>
    tpu.wait_dma2 semaphore(%arg17 : memref<!tpu.dma_semaphore, #tpu.memory_space<semaphore_mem>>) src(%arg9 : memref<80x128xf32, #tpu.memory_space<vmem>>) dst(%dma_wait3A_48 : memref<80x128xf32, #tpu.memory_space<hbm>>)
    %add3A_49 = arith.constant 1520 : i32
    %add3A_50 = arith.addi %mul3A_2, %add3A_49 : i32
    %dma_wait3A_51 = arith.constant 0 : i32
    %dma_wait3A_52 = tpu.memref_slice %arg4[%add3A_50, %dma_wait3A_51] : memref<51200x128xf32, #tpu.memory_space<hbm>> -> memref<80x128xf32, #tpu.memory_space<hbm>>
    %dma_wait3A_53 = arith.constant 0 : i32
    %dma_wait3A_54 = tpu.memref_slice %arg4[%add3A_50, %dma_wait3A_53] : memref<51200x128xf32, #tpu.memory_space<hbm>> -> memref<80x128xf32, #tpu.memory_space<hbm>>
    tpu.wait_dma2 semaphore(%arg18 : memref<!tpu.dma_semaphore, #tpu.memory_space<semaphore_mem>>) src(%arg10 : memref<80x128xf32, #tpu.memory_space<vmem>>) dst(%dma_wait3A_54 : memref<80x128xf32, #tpu.memory_space<hbm>>)
    return
  }
}

module attributes {stable_mosaic.version = 14 : i64} {
  func.func @_matmul_body(%arg0: i32, %arg1: memref<5x1024x128xf32, #tpu.memory_space<vmem>>, %arg2: memref<1000x128xf32, #tpu.memory_space<vmem>>, %arg3: memref<5x1000x1024xf32, #tpu.memory_space<vmem>>) attributes {dimension_semantics = [#tpu.dimension_semantics<arbitrary>], iteration_bounds = array<i64: 10>, scalar_prefetch = 0 : i64, scratch_operands = 0 : i64, tpu.core_type = #tpu.core_type<tc>, window_params = [{transform_indices = @transform_0, window_bounds = array<i64: 5, 1024, 128>}, {pipeline_mode = #tpu.pipeline_mode<synchronous>, transform_indices = @transform_1, window_bounds = array<i64: 1000, 128>}, {transform_indices = @transform_2, window_bounds = array<i64: 5, 1000, 1024>}]} {
    %get3A = arith.constant 0 : index
    %get3A_0 = arith.constant 0 : index
    %get3A_1 = vector.load %arg2[%get3A, %get3A_0] : memref<1000x128xf32, #tpu.memory_space<vmem>>, vector<1000x128xf32>
    %get3A_2 = arith.constant 0 : index
    %get3A_3 = arith.constant 0 : index
    %get3A_4 = arith.constant 0 : index
    %get3A_5 = vector.load %arg1[%get3A_2, %get3A_3, %get3A_4] : memref<5x1024x128xf32, #tpu.memory_space<vmem>>, vector<1x1024x128xf32>
    %get3A_6 = vector.shape_cast %get3A_5 : vector<1x1024x128xf32> to vector<1024x128xf32>
    %dot_general3A = arith.constant dense<0.000000e+00> : vector<1000x1024xf32>
    %dot_general3A_7 = tpu.matmul %get3A_1, %get3A_6, %dot_general3A {dimension_numbers = #tpu.dot_dimension_numbers<[1], [1], [0], [0], [0, 0, 1, 0], [], []>, transpose_lhs_hint = false} : vector<1000x128xf32>, vector<1024x128xf32>, vector<1000x1024xf32> -> vector<1000x1024xf32>
    %swap3A = arith.constant 0 : index
    %swap3A_8 = arith.constant 0 : index
    %swap3A_9 = arith.constant 0 : index
    %swap3A_10 = vector.load %arg3[%swap3A, %swap3A_8, %swap3A_9] : memref<5x1000x1024xf32, #tpu.memory_space<vmem>>, vector<1x1000x1024xf32>
    %swap3A_11 = vector.shape_cast %swap3A_10 : vector<1x1000x1024xf32> to vector<1000x1024xf32>
    %swap3A_12 = vector.shape_cast %dot_general3A_7 : vector<1000x1024xf32> to vector<1x1000x1024xf32>
    tpu.vector_store %arg3[%swap3A, %swap3A_8, %swap3A_9], %swap3A_12 {strides = array<i32>} : memref<5x1000x1024xf32, #tpu.memory_space<vmem>>, vector<1x1000x1024xf32>,
    %get3A_13 = arith.constant 0 : index
    %get3A_14 = arith.constant 0 : index
    %get3A_15 = vector.load %arg2[%get3A_13, %get3A_14] : memref<1000x128xf32, #tpu.memory_space<vmem>>, vector<1000x128xf32>
    %get3A_16 = arith.constant 1 : index
    %get3A_17 = arith.constant 0 : index
    %get3A_18 = arith.constant 0 : index
    %get3A_19 = vector.load %arg1[%get3A_16, %get3A_17, %get3A_18] : memref<5x1024x128xf32, #tpu.memory_space<vmem>>, vector<1x1024x128xf32>
    %get3A_20 = vector.shape_cast %get3A_19 : vector<1x1024x128xf32> to vector<1024x128xf32>
    %dot_general3A_21 = arith.constant dense<0.000000e+00> : vector<1000x1024xf32>
    %dot_general3A_22 = tpu.matmul %get3A_15, %get3A_20, %dot_general3A_21 {dimension_numbers = #tpu.dot_dimension_numbers<[1], [1], [0], [0], [0, 0, 1, 0], [], []>, transpose_lhs_hint = false} : vector<1000x128xf32>, vector<1024x128xf32>, vector<1000x1024xf32> -> vector<1000x1024xf32>
    %swap3A_23 = arith.constant 1 : index
    %swap3A_24 = arith.constant 0 : index
    %swap3A_25 = arith.constant 0 : index
    %swap3A_26 = vector.load %arg3[%swap3A_23, %swap3A_24, %swap3A_25] : memref<5x1000x1024xf32, #tpu.memory_space<vmem>>, vector<1x1000x1024xf32>
    %swap3A_27 = vector.shape_cast %swap3A_26 : vector<1x1000x1024xf32> to vector<1000x1024xf32>
    %swap3A_28 = vector.shape_cast %dot_general3A_22 : vector<1000x1024xf32> to vector<1x1000x1024xf32>
    tpu.vector_store %arg3[%swap3A_23, %swap3A_24, %swap3A_25], %swap3A_28 {strides = array<i32>} : memref<5x1000x1024xf32, #tpu.memory_space<vmem>>, vector<1x1000x1024xf32>,
    %get3A_29 = arith.constant 0 : index
    %get3A_30 = arith.constant 0 : index
    %get3A_31 = vector.load %arg2[%get3A_29, %get3A_30] : memref<1000x128xf32, #tpu.memory_space<vmem>>, vector<1000x128xf32>
    %get3A_32 = arith.constant 2 : index
    %get3A_33 = arith.constant 0 : index
    %get3A_34 = arith.constant 0 : index
    %get3A_35 = vector.load %arg1[%get3A_32, %get3A_33, %get3A_34] : memref<5x1024x128xf32, #tpu.memory_space<vmem>>, vector<1x1024x128xf32>
    %get3A_36 = vector.shape_cast %get3A_35 : vector<1x1024x128xf32> to vector<1024x128xf32>
    %dot_general3A_37 = arith.constant dense<0.000000e+00> : vector<1000x1024xf32>
    %dot_general3A_38 = tpu.matmul %get3A_31, %get3A_36, %dot_general3A_37 {dimension_numbers = #tpu.dot_dimension_numbers<[1], [1], [0], [0], [0, 0, 1, 0], [], []>, transpose_lhs_hint = false} : vector<1000x128xf32>, vector<1024x128xf32>, vector<1000x1024xf32> -> vector<1000x1024xf32>
    %swap3A_39 = arith.constant 2 : index
    %swap3A_40 = arith.constant 0 : index
    %swap3A_41 = arith.constant 0 : index
    %swap3A_42 = vector.load %arg3[%swap3A_39, %swap3A_40, %swap3A_41] : memref<5x1000x1024xf32, #tpu.memory_space<vmem>>, vector<1x1000x1024xf32>
    %swap3A_43 = vector.shape_cast %swap3A_42 : vector<1x1000x1024xf32> to vector<1000x1024xf32>
    %swap3A_44 = vector.shape_cast %dot_general3A_38 : vector<1000x1024xf32> to vector<1x1000x1024xf32>
    tpu.vector_store %arg3[%swap3A_39, %swap3A_40, %swap3A_41], %swap3A_44 {strides = array<i32>} : memref<5x1000x1024xf32, #tpu.memory_space<vmem>>, vector<1x1000x1024xf32>,
    %get3A_45 = arith.constant 0 : index
    %get3A_46 = arith.constant 0 : index
    %get3A_47 = vector.load %arg2[%get3A_45, %get3A_46] : memref<1000x128xf32, #tpu.memory_space<vmem>>, vector<1000x128xf32>
    %get3A_48 = arith.constant 3 : index
    %get3A_49 = arith.constant 0 : index
    %get3A_50 = arith.constant 0 : index
    %get3A_51 = vector.load %arg1[%get3A_48, %get3A_49, %get3A_50] : memref<5x1024x128xf32, #tpu.memory_space<vmem>>, vector<1x1024x128xf32>
    %get3A_52 = vector.shape_cast %get3A_51 : vector<1x1024x128xf32> to vector<1024x128xf32>
    %dot_general3A_53 = arith.constant dense<0.000000e+00> : vector<1000x1024xf32>
    %dot_general3A_54 = tpu.matmul %get3A_47, %get3A_52, %dot_general3A_53 {dimension_numbers = #tpu.dot_dimension_numbers<[1], [1], [0], [0], [0, 0, 1, 0], [], []>, transpose_lhs_hint = false} : vector<1000x128xf32>, vector<1024x128xf32>, vector<1000x1024xf32> -> vector<1000x1024xf32>
    %swap3A_55 = arith.constant 3 : index
    %swap3A_56 = arith.constant 0 : index
    %swap3A_57 = arith.constant 0 : index
    %swap3A_58 = vector.load %arg3[%swap3A_55, %swap3A_56, %swap3A_57] : memref<5x1000x1024xf32, #tpu.memory_space<vmem>>, vector<1x1000x1024xf32>
    %swap3A_59 = vector.shape_cast %swap3A_58 : vector<1x1000x1024xf32> to vector<1000x1024xf32>
    %swap3A_60 = vector.shape_cast %dot_general3A_54 : vector<1000x1024xf32> to vector<1x1000x1024xf32>
    tpu.vector_store %arg3[%swap3A_55, %swap3A_56, %swap3A_57], %swap3A_60 {strides = array<i32>} : memref<5x1000x1024xf32, #tpu.memory_space<vmem>>, vector<1x1000x1024xf32>,
    %get3A_61 = arith.constant 0 : index
    %get3A_62 = arith.constant 0 : index
    %get3A_63 = vector.load %arg2[%get3A_61, %get3A_62] : memref<1000x128xf32, #tpu.memory_space<vmem>>, vector<1000x128xf32>
    %get3A_64 = arith.constant 4 : index
    %get3A_65 = arith.constant 0 : index
    %get3A_66 = arith.constant 0 : index
    %get3A_67 = vector.load %arg1[%get3A_64, %get3A_65, %get3A_66] : memref<5x1024x128xf32, #tpu.memory_space<vmem>>, vector<1x1024x128xf32>
    %get3A_68 = vector.shape_cast %get3A_67 : vector<1x1024x128xf32> to vector<1024x128xf32>
    %dot_general3A_69 = arith.constant dense<0.000000e+00> : vector<1000x1024xf32>
    %dot_general3A_70 = tpu.matmul %get3A_63, %get3A_68, %dot_general3A_69 {dimension_numbers = #tpu.dot_dimension_numbers<[1], [1], [0], [0], [0, 0, 1, 0], [], []>, transpose_lhs_hint = false} : vector<1000x128xf32>, vector<1024x128xf32>, vector<1000x1024xf32> -> vector<1000x1024xf32>
    %swap3A_71 = arith.constant 4 : index
    %swap3A_72 = arith.constant 0 : index
    %swap3A_73 = arith.constant 0 : index
    %swap3A_74 = vector.load %arg3[%swap3A_71, %swap3A_72, %swap3A_73] : memref<5x1000x1024xf32, #tpu.memory_space<vmem>>, vector<1x1000x1024xf32>
    %swap3A_75 = vector.shape_cast %swap3A_74 : vector<1x1000x1024xf32> to vector<1000x1024xf32>
    %swap3A_76 = vector.shape_cast %dot_general3A_70 : vector<1000x1024xf32> to vector<1x1000x1024xf32>
    tpu.vector_store %arg3[%swap3A_71, %swap3A_72, %swap3A_73], %swap3A_76 {strides = array<i32>} : memref<5x1000x1024xf32, #tpu.memory_space<vmem>>, vector<1x1000x1024xf32>,
    return
  }
  func.func @transform_0(%arg0: i32) -> (i32, i32, i32) {
    %c0_i32 = arith.constant 0 : i32
    %c0_i32_0 = arith.constant 0 : i32
    %c0_i32_1 = arith.constant 0 : i32
    return %arg0, %c0_i32, %c0_i32_0 : i32, i32, i32
  }
  func.func @transform_1(%arg0: i32) -> (i32, i32) {
    %c0_i32 = arith.constant 0 : i32
    %c0_i32_0 = arith.constant 0 : i32
    %c0_i32_1 = arith.constant 0 : i32
    return %c0_i32, %c0_i32_0 : i32, i32
  }
  func.func @transform_2(%arg0: i32) -> (i32, i32, i32) {
    %c0_i32 = arith.constant 0 : i32
    %c0_i32_0 = arith.constant 0 : i32
    %c0_i32_1 = arith.constant 0 : i32
    return %arg0, %c0_i32, %c0_i32_0 : i32, i32, i32
  }
}

</mosaic_0001>

<sc_bundles>
// kernel: kernel.4.cloned.1.call-start
scs
__scs_entry_jumppad:
0x0: {  	(pc) =	sbr.rel $0x88, $3  }
0x1: {  	(tag) =	ssettag $0x0;
	lr =	simm.s32 $0x1  }
0x2: {  	[smem:$0x3F9E] =	sst lr;
	_ =	strace $0xD0000000  }
0x3: {  	_ = 	snop  }
0x4: {  	_ = 	snop  }
0x5: {  	_ = 	snop  }
0x6: {  	_ = 	snop  }
0x7: {  	_ = 	snop  }
__scs_overlays_trampoline_lowered:
0x8: {  	[smem:$0x3FAD] =	sst s0  }
0x9: {  	[smem:$0x3FAE] =	sst s1  }
0xa: {  	[smem:$0x3FAF] =	sst s2  }
0xb: {  	[smem:$0x3FB0] =	sst s3  }
0xc: {  	[smem:$0x3FB1] =	sst s4  }
0xd: {  	[smem:$0x3FB2] =	sst s5  }
0xe: {  	[smem:$0x3FB3] =	sst s6  }
0xf: {  	[smem:$0x3FB4] =	sst s7  }
0x10: {  	[smem:$0x3FB5] =	sst s8  }
0x11: {  	[smem:$0x3FB6] =	sst s9;
	s0 =	simm.s32 @!p0 $0x0  }
0x12: {  	s1 =	sld [smem:$0x3F9C];
	s0 =	simm.s32 @p0 $0x1  }
0x13: {  	[smem:$0x3FB7] =	sst s0;
	s0 =	simm.s32 @!p1 $0x0  }
0x14: {  	s2 =	sld [smem:$0x3F9B];
	s0 =	simm.s32 @p1 $0x1  }
0x15: {  	[smem:$0x3FB8] =	sst s0;
	s0 =	simm.s32 @!p2 $0x0  }
0x16: {  	s3 =	sld [smem:$0x3FDB];
	s0 =	simm.s32 @p2 $0x1  }
0x17: {  	s4 =	simm.s32 $0x1BF5;
	[smem:$0x3FBA] =	sst s0  }
0x18: {  	s0 =	sld [smem:$0x3F9D];
	_ =	swait.ge [sflag:s4], $0x0  }
0x19: {  	s7 =	sld [smem:$0x3F9E]  }
0x1a: {  	s8 =	sadd.s32 $0xFFFFE003, lr  }
0x1b: {  	s9 =	sadd.s32 $0xFFFFFEF7, lr;
	s5 =	simm.s32 $0xFFFFFFFF;
	p2 =	slt.u32 s8, $0xFFFFF086  }
0x1c: {  	p1 =	slt.u32 s9, $0xF7A;
	s5 =	simm.s32 @!p2 $0x0  }
0x1d: {  	s5 =	simm.s32 @p1 $0x1;
	p0 =	seq.s32 s7, s2  }
0x1e: {  	s7 =	smul.u32 @!p0 $0xF7A, s2;
	p2 =	seq.s32 @!p0 s5, $0x0  }
0x1f: {  	s9 =	smul.u32 $0xF7A, s1;
	s8 =	simm.s32 @!p0 $0x1BF5;
	p2 =	por !p2, p0  }
0x20: {  	[sflag:s8] =	ssyncset.s32 @!p0 $0xFFFFF086;
	s6 =	sadd.s32 @!p0 s3, s7;
	s7 =	simm.s32 @!p0 $0x108  }
0x21: {  	s3 =	sadd.s32 s3, s9;
	s6 =	sadd.s32 @!p0 $0x88, s6;
	s7 =	simm.s32 @p2 $0x1082  }
0x22: {  	[simem:s7], [sflag:s8] =	dma.local @!p0 [hbm:s6], $0xF7A  }
0x23: {  	s9 =	sor.u32 $0xD0000000, s2;
	s6 =	simm.s32 $0x108;
	_ =	swait.ge @!p0 [sflag:s8], $0x0  }
0x24: {  	s3 =	sadd.s32 $0x88, s3;
	s6 =	simm.s32 @!p1 $0x1082;
	[sflag:s4] =	ssyncset.s32 $0xFFFFF086  }
0x25: {  	[simem:s6], [sflag:s4] =	dma.local [hbm:s3], $0xF7A  }
0x26: {  	[smem:$0x3F9E] =	sst s1;
	(tag) =	ssettag s2;
	_ =	strace s9  }
0x27: {  	s1 =	sld [smem:$0x3FAE]  }
0x28: {  	s2 =	sld [smem:$0x3FAF]  }
0x29: {  	s4 =	sld [smem:$0x3FB1]  }
0x2a: {  	p0 =	seq.s32 s5, $0x0;
	s5 =	sld [smem:$0x3FB2]  }
0x2b: {  	s6 =	sld [smem:$0x3FB3]  }
0x2c: {  	s7 =	sld [smem:$0x3FB4]  }
0x2d: {  	s3 =	simm.s32 $0x108;
	s8 =	sld [smem:$0x3FB5]  }
0x2e: {  	s3 =	simm.s32 @!p0 $0x1082;
	s9 =	sld [smem:$0x3FB6]  }
0x2f: {  	lr =	sadd.s32 s0, s3;
	s0 =	sld [smem:$0x3FAD]  }
0x30: {  	s3 =	sld [smem:$0x3FB0]  }
0x31: {  	[smem:$0x3FB9] =	sst s10  }
0x32: {  	s10 =	sld [smem:$0x3FB7];
	_ =	sdelay $0x3  }
0x33: {  	p0 =	seq.s32 s10, $0x1;
	s10 =	sld [smem:$0x3FB9];
	_ =	sdelay $0x3  }
0x34: {  	[smem:$0x3FB9] =	sst s10  }
0x35: {  	s10 =	sld [smem:$0x3FB8];
	_ =	sdelay $0x3  }
0x36: {  	p1 =	seq.s32 s10, $0x1;
	s10 =	sld [smem:$0x3FB9];
	_ =	sdelay $0x3  }
0x37: {  	[smem:$0x3FB9] =	sst s10  }
0x38: {  	s10 =	sld [smem:$0x3FBA]  }
0x39: {  	_ = 	snop;
	(pc) =	sbr.ind lr, $3  }
0x3a: {  	_ = 	snop  }
0x3b: {  	_ = 	snop  }
0x3c: {  	p2 =	seq.s32 s10, $0x1;
	s10 =	sld [smem:$0x3FB9]  }
0x3d: {  	_ =	shalt  }
0x3e: {  	_ =	shalt  }
0x3f: {  	_ =	shalt  }
0x40: {  	_ =	shalt  }
0x41: {  	_ =	shalt  }
0x42: {  	_ =	shalt  }
0x43: {  	_ =	shalt  }
0x44: {  	_ =	shalt  }
0x45: {  	_ =	shalt  }
0x46: {  	_ =	shalt  }
0x47: {  	_ =	shalt  }
0x48: {  	_ =	shalt  }
0x49: {  	_ =	shalt  }
0x4a: {  	_ =	shalt  }
0x4b: {  	_ =	shalt  }
0x4c: {  	_ =	shalt  }
0x4d: {  	_ =	shalt  }
0x4e: {  	_ =	shalt  }
0x4f: {  	_ =	shalt  }
0x50: {  	_ =	shalt  }
0x51: {  	_ =	shalt  }
0x52: {  	_ =	shalt  }
0x53: {  	_ =	shalt  }
0x54: {  	_ =	shalt  }
0x55: {  	_ =	shalt  }
0x56: {  	_ =	shalt  }
0x57: {  	_ =	shalt  }
0x58: {  	_ =	shalt  }
0x59: {  	_ =	shalt  }
0x5a: {  	_ =	shalt  }
0x5b: {  	_ =	shalt  }
0x5c: {  	_ =	shalt  }
0x5d: {  	_ =	shalt  }
0x5e: {  	_ =	shalt  }
0x5f: {  	_ =	shalt  }
0x60: {  	_ =	shalt  }
0x61: {  	_ =	shalt  }
0x62: {  	_ =	shalt  }
0x63: {  	_ =	shalt  }
0x64: {  	_ =	shalt  }
0x65: {  	_ =	shalt  }
0x66: {  	_ =	shalt  }
0x67: {  	_ =	shalt  }
0x68: {  	_ =	shalt  }
0x69: {  	_ =	shalt  }
0x6a: {  	_ =	shalt  }
0x6b: {  	_ =	shalt  }
0x6c: {  	_ =	shalt  }
0x6d: {  	_ =	shalt  }
0x6e: {  	_ =	shalt  }
0x6f: {  	_ =	shalt  }
0x70: {  	_ =	shalt  }
0x71: {  	_ =	shalt  }
0x72: {  	_ =	shalt  }
0x73: {  	_ =	shalt  }
0x74: {  	_ =	shalt  }
0x75: {  	_ =	shalt  }
0x76: {  	_ =	shalt  }
0x77: {  	_ =	shalt  }
0x78: {  	_ =	shalt  }
0x79: {  	_ =	shalt  }
0x7a: {  	_ =	shalt  }
0x7b: {  	_ =	shalt  }
0x7c: {  	_ =	shalt  }
0x7d: {  	_ =	shalt  }
0x7e: {  	_ =	shalt  }
0x7f: {  	_ =	shalt  }
0x80: {  	_ =	shalt  }
0x81: {  	_ =	shalt  }
0x82: {  	_ =	shalt  }
0x83: {  	_ =	shalt  }
0x84: {  	_ =	shalt  }
0x85: {  	_ =	shalt  }
0x86: {  	_ =	shalt  }
0x87: {  	_ =	shalt  }
.Lfunc_end0:
.L_simem_size_0:
called_computation_lowered:
.L_overlay_start_0:
0x88: {  	s2 =	sld [smem:$0x3FD9]  }
0x89: {  	s3 =	sld [smem:$0x3FFE];
	_ =	sdelay $0x1  }
0x8a: {  	s1 =	srdreg.scid  }
0x8b: {  	s0 =	sand.u32 $0x1, s1  }
0x8c: {  	s17 =	sshll.u32 s0, $0xA;
	s2 =	sadd.s32 s3, s2  }
0x8d: {  	s2 =	sadd.s32 s2, s17  }
0x8e: {  	[smem:$0x3FC5] =	sst s2  }
0x8f: {  	_ = 	snop  }
0x90: {  	s2 =	sld [smem:$0x3FC8]  }
0x91: {  	s18 =	sld [smem:$0x3FD0];
	(tm) =	ssettm $0x1  }
0x92: {  	s4 =	sld [smem:$0x3FFB];
	_ =	sdelay $0x3  }
0x93: {  	_ =	strace s4  }
0x94: {  	s4 =	sld [smem:$0x3FFC];
	_ =	sdelay $0x3  }
0x95: {  	_ =	strace s4  }
0x96: {  	s4 =	sld [smem:$0x3FFD];
	_ =	sdelay $0x3  }
0x97: {  	_ =	strace s4  }
0x98: {  	_ =	strace $0x8FFFFFFF  }
0x99: {  	s19 =	sld [smem:$0x3FDB];
	_ =	sdelay $0x1  }
0x9a: {  	s5 =	simm.s32 $_scs_section_size  }
0x9b: {  	s6 =	simm.s32 $_size__tile_overlayer_lowered;
	s7 =	simm.s32 $_tile_overlayer_lowered  }
0x9c: {  	s22 =	simm.s32 $0x1BFF;
	s21 =	sshll.u32 s7, $0x1;
	s4 =	sadd.s32 s5, s19  }
0x9d: {  	s8 =	simm.s32 $0x0;
	s20 =	sshll.u32 s6, $0x1;
	s6 =	sadd.s32 s21, s4  }
0x9e: {  	[timem:s8], [sflag:s22] =	dma.local [hbm:s6], s20  }
0x9f: {  	_ =	swait.ge [sflag:s22], s20  }
0xa0: {  	s5 =	ssub.s32 $0x0, s20;
	[sflag:s22] =	ssyncset.done $0x0  }
0xa1: {  	[sflag:s22] =	ssyncadd.s32 s5;
	_ =	sdelay $0x1  }
0xa2: {  	s23 =	simm.s32 $0x1B8B  }
0xa3: {  	_ =	swait.ge [sflag:s23], $0x1  }
0xa4: {  	[sflag:s23] =	ssyncset.done $0x0  }
0xa5: {  	s25 =	simm.s32 $0x1B8E;
	s24 =	sld [smem:$0x3FFE];
	[sflag:s23] =	ssyncadd.s32 $0xFFFFFFFF  }
0xa6: {  	s26 =	simm.s32 $execute0_lowered;
	[smem:$0x3FD2] =	sst s25  }
0xa7: {  	s6 =	sshll.u32 s26, $0x1;
	_ =	strace $0x80000046;
	[dreg:$0x1] =	wrdreg $0xFFFFFFFF  }
0xa8: {  	s28 =	simm.s32 $_size_execute0_lowered;
	s4 =	sadd.s32 s4, s6;
	[dreg:$0x0] =	wrdreg $0x0  }
0xa9: {  	s6 =	sshll.u32 s28, $0x1;
	[dreg:$0x2] =	wrdreg s4  }
0xaa: {  	[dreg:$0x3] =	wrdreg s6  }
0xab: {  	[dreg:$0x4] =	wrdreg $0xC0  }
0xac: {  	_ =	task [dreg:s8], $0x5FFFF  }
0xad: {  	[dreg:$0x1] =	wrdreg $0xFFFFFFFF  }
0xae: {  	[dreg:$0x0] =	wrdreg $0x60  }
0xaf: {  	[dreg:$0x2] =	wrdreg s2  }
0xb0: {  	[dreg:$0x3] =	wrdreg s18  }
0xb1: {  	[dreg:$0x4] =	wrdreg s24  }
0xb2: {  	[dreg:$0x5] =	wrdreg $0x0  }
0xb3: {  	[dreg:$0x6] =	wrdreg $0x9  }
0xb4: {  	_ =	task.clear_ibuf [dreg:s8], $0x7FFFF;
	_ =	strace $0x90000046  }
0xb5: {  	s29 =	simm.s32 $0x9;
	_ =	strace $0x80000048  }
0xb6: {  	_ =	swait.ge [sflag:s29], $0x1  }
0xb7: {  	[sflag:s29] =	ssyncadd.s32 $0xFFFFFFFF  }
0xb8: {  	_ =	strace $0x90000048  }
0xb9: {  	_ =	sfence  }
0xba: {  	s30 =	sld [smem:$0x0];
	_ =	sdelay $0x2  }
0xbb: {  	s31 =	sshll.u32 s1, $0xD;
	s1 =	sshrl.u32 s1, $0x2  }
0xbc: {  	s3 =	sand.u32 $0x4000, s31;
	s1 =	sadd.s32 s1, s30  }
0xbd: {  	s0 =	sor.u32 s3, s0;
	s1 =	sshll.u32 s1, $0x11  }
0xbe: {  	s0 =	sor.u32 s1, s0  }
0xbf: {  	s0 =	sadd.s32 $0x8F2B, s0  }
0xc0: {  	[sflag:s0] =	ssyncadd.remote.s32 $0x1  }
0xc1: {  	_ =	sfence.sel $0xFFFF  }
0xc2: {  	[dreg:$0x0] =	wrdreg $0xFFFFFFFF;
	(pc) =	sbr.abs _section_cstart, $3  }
0xc3: {  	[dreg:$0x1] =	wrdreg $0xFFFFFFFF  }
0xc4: {  	_ =	task.clear_ibuf [dreg:s8], $0x2FFFF;
	_ =	strace $0x9FFFFFFF  }
0xc5: {  	(tm) =	ssettm $0x7FFFFFFF  }
tec
execute0_lowered:
.L_overlay_start_1:
0x0: {  	(tag) =	ssettag $0x1  }
0x1: {  	s4 =	rddreg [dreg:$0x1]  }
0x2: {  	s5 =	rddreg [dreg:$0x2]  }
0x3: {  	s2 =	rddreg [dreg:$0x3]  }
0x4: {  	s6 =	srdreg.scid;
	s7 =	stileid.u32  }
0x5: {  	s3 =	simm.s32 $0x0;
	s13 =	simm.s32 $0x25C0;
	s16 =	simm.s32 $0x1FE0  }
0x6: {  	s17 =	simm.s32 $0x75C0;
	s18 =	simm.s32 $0x2030;
	s19 =	simm.s32 $0x9DC0  }
0x7: {  	s20 =	simm.s32 $0x1;
	s21 =	simm.s32 $0x3;
	s22 =	simm.s32 $0x4  }
0x8: {  	s23 =	simm.s32 $0x5;
	s24 =	simm.s32 $0x6;
	s25 =	simm.s32 $0x7  }
0x9: {  	s26 =	simm.s32 $0x8;
	s28 =	simm.s32 $0x0;
	s6 =	sand.u32 $0x1, s6  }
0xa: {  	s8 =	sshll.u32 s7, $0x1;
	[smem:$0x7FF] =	sst s3;
	s12 =	smul.u32 $0xC800, s7  }
0xb: {  	s10 =	sadd.s32 $0x400, s5;
	s8 =	sor.u32 s6, s8;
	s31 =	smul.u32 $0x6400, s6  }
0xc: {  	p0 =	sne.s32 s7, $0x0;
	s30 =	ssub.s32 $0x2, s6;
	s9 =	smul.u32 $0x640, s8  }
0xd: {  	_ =	strace $0x80000047;
	s8 =	smul.u32 $0x6400, s8;
	s11 =	sshrl.u32 s30, $0x1  }
.Ltmp0:
0xe: {  	s5 =	ssub.s32 s30, s11;
	s11 =	simm.s32 $0x9;
	(pc) =	sbr.rel .LBB2_1-.Ltmp0, $4  }
0xf: {  	s9 =	sshrl.u32 s9, $0x3;
	s5 =	smax.u32 s5, $0x1;
	s8 =	sadd.s32 s10, s8  }
0x10: {  	s10 =	sadd.s32 s12, s10;
	s12 =	simm.s32 $0x50;
	s4 =	sadd.s32 s4, s9  }
0x11: {  	s6 =	sadd.s32 $0x5500, s8;
	s9 =	sadd.s32 s31, s10;
	s7 =	sadd.s32 $0x5F00, s8  }
0x12: {  	s10 =	simm.s32 $0x1F40;
	s8 =	sadd.s32 $0xF00, s9;
	s9 =	sshrl.u32 @!p0 s2, $0x3  }
.LBB2_4:
0x13: {  	_ =	swait.ge [sflag:s22], $0x2800  }
0x14: {  	[sflag:s22] =	ssyncset.done $0x0  }
0x15: {  	[sflag:s22] =	ssyncadd.s32 $0xFFFFD800  }
0x16: {  	[hbm4b:s7+s3] =	stream.linear.scatter [tilespmem:s19], [sflag:$0x8], $0x2800, $0x38;
	[tilespmem:$0xC5C0] =	vst v63  }
0x17: {  	_ =	swait.ge [sflag:s23], $0x2800  }
0x18: {  	[sflag:s23] =	ssyncset.done $0x0  }
0x19: {  	[sflag:s23] =	ssyncadd.s32 $0xFFFFD800  }
0x1a: {  	_ =	swait.ge [sflag:s24], $0x2800  }
0x1b: {  	[sflag:s24] =	ssyncset.done $0x0  }
0x1c: {  	s28 =	sadd.s32 $0x1, s28;
	[sflag:s24] =	ssyncadd.s32 $0xFFFFD800  }
0x1d: {  	p1 =	sne.s32 s28, s5;
	_ =	swait.ge [sflag:s25], $0x2800  }
.Ltmp1:
0x1e: {  	[sflag:s25] =	ssyncset.done $0x0;
	(pc) =	sbr.rel @!p1 .LBB2_5-.Ltmp1, $4  }
0x1f: {  	[sflag:s25] =	ssyncadd.s32 $0xFFFFD800  }
0x20: {  	_ =	swait.ge [sflag:s26], $0x2800  }
0x21: {  	[sflag:s26] =	ssyncset.done $0x0  }
0x22: {  	[sflag:s26] =	ssyncadd.s32 $0xFFFFD800  }
.LBB2_1:
0x23: {  	s29 =	simm.s32 @!p0 $0x1C09;
	s0 =	rddreg [dreg:$0x0]  }
0x24: {  	[spmem:s9], [sflag:s29] =	dma.local @!p0 [hbm:s0], $0x3E80  }
0x25: {  	s29 =	simm.s32 @!p0 $0x9  }
0x26: {  	_ =	swait.ge @!p0 [sflag:s29], $0x3E80  }
0x27: {  	[sflag:s29] =	ssyncset.done @!p0 $0x0  }
0x28: {  	[sflag:s29] =	ssyncadd.s32 @!p0 $0xFFFFC180  }
0x29: {  	[tilespmem:s10], [sflag:$0x9] =	stream.linear.gather [hbm4b:s4+s3], $0x640, $0x38;
	[tilespmem:$0xC5C0] =	vst v63  }
0x2a: {  	_ =	swait.ge [sflag:s11], $0x640  }
0x2b: {  	[sflag:s11] =	ssyncset.done $0x0  }
0x2c: {  	[sflag:s11] =	ssyncadd.s32 $0xFFFFF9C0  }
0x2d: {  	[bflag:$0x0] =	sbarrier.arrive $0xFFFF  }
0x2e: {  	[tilespmem:s13], [sflag:$0x1] =	stream.indirect.gather [spmem:s2], $0x80, s10, s12, $0xb8;
	[tilespmem:$0xC5C0] =	vst v63  }
0x2f: {  	s31 =	simm.s32 $0x1F90;
	s1 =	simm.s32 $0x4DC0  }
0x30: {  	[tilespmem:s1], [sflag:$0x2] =	stream.indirect.gather [spmem:s2], $0x80, s31, s12, $0xb8;
	[tilespmem:$0xC5C0] =	vst v63  }
0x31: {  	_ = 	snop  }
0x32: {  	[tilespmem:s17], [sflag:$0x3] =	stream.indirect.gather [spmem:s2], $0x80, s16, s12, $0xb8;
	[tilespmem:$0xC5C0] =	vst v63  }
0x33: {  	s30 =	simm.s32 $0x0;
	s29 =	smov.u32 s8  }
0x34: {  	[tilespmem:s19], [sflag:$0x4] =	stream.indirect.gather [spmem:s2], $0x80, s18, s12, $0xb8;
	[tilespmem:$0xC5C0] =	vst v63  }
.LBB2_2:
0x35: {  	_ =	swait.ge [sflag:s20], $0x2800  }
0x36: {  	[sflag:s20] =	ssyncset.done $0x0  }
0x37: {  	s31 =	sadd.s32 $0xFFFFF100, s29;
	p1 =	seq.s32 s30, $0x1400;
	[sflag:s20] =	ssyncadd.s32 $0xFFFFD800  }
0x38: {  	[hbm4b:s31+s3] =	stream.linear.scatter [tilespmem:s13], [sflag:$0x5], $0x2800, $0x38;
	[tilespmem:$0xC5C0] =	vst v63  }
0x39: {  	s31 =	simm.s32 @p1 $0x2  }
0x3a: {  	_ =	swait.ge @p1 [sflag:s31], $0x2800  }
0x3b: {  	[sflag:s31] =	ssyncset.done @p1 $0x0  }
0x3c: {  	s0 =	simm.s32 @p1 $0x4DC0;
	[sflag:s31] =	ssyncadd.s32 @p1 $0xFFFFD800;
	s31 =	simm.s32 @p1 $0x0  }
0x3d: {  	[hbm4b:s6+s31] =	stream.linear.scatter @p1 [tilespmem:s0], [sflag:$0x6], $0x2800, $0x38;
	[tilespmem:$0xC5C0] =	vst v63  }
0x3e: {  	s0 =	simm.s32 @!p1 $0x5  }
0x3f: {  	_ =	swait.ge @!p1 [sflag:s0], $0x2800  }
0x40: {  	[sflag:s0] =	ssyncset.done @!p1 $0x0  }
0x41: {  	[sflag:s0] =	ssyncadd.s32 @!p1 $0xFFFFD800;
	s0 =	sshra.s32 @!p1 s30, $0x2  }
0x42: {  	s1 =	simm.s32 @!p1 $0x50;
	s14 =	simm.s32 @!p1 $0x25C0;
	s31 =	sadd.s32 @!p1 $0x2080, s0  }
0x43: {  	[tilespmem:s14], [sflag:$0x1] =	stream.indirect.gather @!p1 [spmem:s2], $0x80, s31, s1, $0xb8;
	[tilespmem:$0xC5C0] =	vst v63  }
0x44: {  	s14 =	simm.s32 @!p1 $0x2  }
0x45: {  	_ =	swait.ge @!p1 [sflag:s14], $0x2800  }
0x46: {  	s15 =	simm.s32 @!p1 $0x4DC0;
	[sflag:s14] =	ssyncset.done @!p1 $0x0  }
0x47: {  	s31 =	simm.s32 @!p1 $0x0;
	[sflag:s14] =	ssyncadd.s32 @!p1 $0xFFFFD800;
	s14 =	sadd.s32 @!p1 $0xFFFFF600, s29  }
0x48: {  	[hbm4b:s14+s31] =	stream.linear.scatter @!p1 [tilespmem:s15], [sflag:$0x6], $0x2800, $0x38;
	[tilespmem:$0xC5C0] =	vst v63  }
0x49: {  	s14 =	simm.s32 @!p1 $0x6  }
0x4a: {  	_ =	swait.ge @!p1 [sflag:s14], $0x2800  }
0x4b: {  	[sflag:s14] =	ssyncset.done @!p1 $0x0  }
0x4c: {  	s0 =	sadd.s32 @!p1 $0x20D0, s0;
	[sflag:s14] =	ssyncadd.s32 @!p1 $0xFFFFD800  }
0x4d: {  	[tilespmem:s15], [sflag:$0x2] =	stream.indirect.gather @!p1 [spmem:s2], $0x80, s0, s1, $0xb8;
	[tilespmem:$0xC5C0] =	vst v63  }
.Ltmp2:
0x4e: {  	_ = 	snop;
	(pc) =	sbr.rel @p1 .LBB2_4-.Ltmp2, $4  }
0x4f: {  	_ =	swait.ge [sflag:s21], $0x2800  }
0x50: {  	[sflag:s21] =	ssyncset.done $0x0  }
0x51: {  	s31 =	sadd.s32 $0xFFFFFB00, s29;
	[sflag:s21] =	ssyncadd.s32 $0xFFFFD800  }
0x52: {  	[hbm4b:s31+s3] =	stream.linear.scatter [tilespmem:s17], [sflag:$0x7], $0x2800, $0x38;
	[tilespmem:$0xC5C0] =	vst v63  }
0x53: {  	_ =	swait.ge [sflag:s25], $0x2800  }
0x54: {  	s0 =	sshra.s32 s30, $0x2;
	[sflag:s25] =	ssyncset.done $0x0  }
0x55: {  	s1 =	sadd.s32 $0x2120, s0;
	[sflag:s25] =	ssyncadd.s32 $0xFFFFD800  }
0x56: {  	[tilespmem:s17], [sflag:$0x3] =	stream.indirect.gather [spmem:s2], $0x80, s1, s12, $0xb8;
	[tilespmem:$0xC5C0] =	vst v63  }
0x57: {  	_ =	swait.ge [sflag:s22], $0x2800  }
0x58: {  	[sflag:s22] =	ssyncset.done $0x0  }
0x59: {  	[sflag:s22] =	ssyncadd.s32 $0xFFFFD800  }
0x5a: {  	[hbm4b:s29+s3] =	stream.linear.scatter [tilespmem:s19], [sflag:$0x8], $0x2800, $0x38;
	[tilespmem:$0xC5C0] =	vst v63  }
.Ltmp3:
0x5b: {  	_ = 	snop;
	(pc) =	sbr.rel .LBB2_2-.Ltmp3, $4  }
0x5c: {  	_ =	swait.ge [sflag:s26], $0x2800  }
0x5d: {  	s30 =	sadd.s32 $0x500, s30;
	[sflag:s26] =	ssyncset.done $0x0  }
0x5e: {  	s0 =	sadd.s32 $0x2170, s0;
	s29 =	sadd.s32 $0x1400, s29;
	[sflag:s26] =	ssyncadd.s32 $0xFFFFD800  }
0x5f: {  	[tilespmem:s19], [sflag:$0x4] =	stream.indirect.gather [spmem:s2], $0x80, s0, s12, $0xb8;
	[tilespmem:$0xC5C0] =	vst v63  }
.LBB2_5:
0x60: {  	_ =	sfence.sel $0x180000  }
0x61: {  	[bflag:$0x0] =	sbarrier.arrive $0xFFFF  }
0x62: {  	_ =	strace $0x90000047  }
0x63: {  	[bflag:$0x2] =	sbarrier.arrive $0xFFFF  }
0x64: {  	s0 =	rddreg [dreg:$0x4]  }
0x65: {  	s0 =	sadd.s32 @!p0 $0x100000, s0  }
0x66: {  	[sflag:s0] =	ssyncadd.tile.s32 @!p0 $0x1;
	_ =	shalt  }
.Lfunc_end2:
_tile_overlayer_lowered:
.L_overlay_start_2:
0x67: {  	(tag) =	ssettag $0x2  }
0x68: {  	s0 =	rddreg [dreg:$0x0];
	s2 =	stileid.u32  }
0x69: {  	s1 =	rddreg [dreg:$0x1];
	p0 =	sne.s32 s2, $0x0  }
0x6a: {  	s3 =	rddreg [dreg:$0x2];
	[bflag:$0x3] =	sbarrier.arrive $0xFFFF;
	s2 =	simm.s32 @!p0 $0x1C09  }
0x6b: {  	[timem:s3], [sflag:s2] =	dma.local @!p0 [hbm:s0], s1  }
0x6c: {  	s0 =	simm.s32 @!p0 $0x9  }
0x6d: {  	_ =	swait.ge @!p0 [sflag:s0], s1  }
0x6e: {  	s1 =	ssub.s32 @!p0 $0x0, s1;
	[sflag:s0] =	ssyncset.done @!p0 $0x0  }
0x6f: {  	[sflag:s0] =	ssyncadd.s32 @!p0 s1  }
0x70: {  	[bflag:$0x3] =	sbarrier.arrive $0xFFFF  }
0x71: {  	_ =	shalt  }

</sc_bundles>
